<compile_context>
chip_gen: v7x
topology: tpu7x:2x2x1
jax: 0.10.2.dev20260603
libtpu: 0.0.44.dev20260713+nightly
codegen_flags: <defaults>
</compile_context>

<pallas_src>
import jax
import jax.numpy as jnp
from jax.experimental import pallas as pl
from jax.experimental.pallas import tpu as pltpu

_TOP_K = 2
_FT = 1024


def _probe_body(g_ref, d_ref, s_ref, w1_ref, w2_ref, o_ref):
    f = pl.program_id(1)

    @pl.when(jnp.logical_and(pl.program_id(0) == 0, f == 0))
    def _():
        o_ref[...] = jnp.zeros_like(o_ref)

    o_ref[...] += (jnp.sum(w1_ref[0], axis=0, keepdims=True)
                   + jnp.sum(w2_ref[0], axis=0, keepdims=True)
                   + s_ref[0].astype(jnp.float32)[:, :_FT // 4].sum()
                   + g_ref[0].astype(jnp.float32)[:_FT // 4].sum()
                   + d_ref[0].astype(jnp.float32)[:, :_FT // 4].sum())


def kernel(x, Wg, bg, W1, b1, W2, b2):
    B, S, H = x.shape
    T = B * S
    E = Wg.shape[-1]
    F = W1.shape[-1]
    K = _TOP_K
    cap = max(T * K // E, 1)
    nf = F // _FT
    xf = x.reshape(T, H)

    gate_logits = xf @ Wg + bg
    scores, eidx = jax.lax.top_k(gate_logits, K)
    sc = jax.nn.softmax(scores, axis=-1)

    expert_mask = jax.nn.one_hot(eidx, E)
    f_i = jnp.mean(expert_mask, axis=(0, 1))
    m_i = jnp.mean(jax.nn.softmax(gate_logits, axis=-1), axis=0)
    aux = 0.01 * jnp.sum(f_i * m_i) / E

    a = eidx.reshape(-1).astype(jnp.int32)
    pos = jnp.arange(T * K, dtype=jnp.int32)
    ohi = jax.nn.one_hot(a, E, dtype=jnp.int32)
    rank = jnp.cumsum(ohi, axis=0) - ohi
    rank = jnp.take_along_axis(rank, a[:, None], axis=1)[:, 0]
    valid = rank < cap
    slot = jnp.where(valid, a * cap + rank, E * cap)
    ii = jnp.full((E * cap + 1,), -1, jnp.int32).at[slot].set(pos // K)
    ss = jnp.zeros((E * cap + 1,), jnp.float32).at[slot].set(sc.reshape(-1))
    ii = ii[:E * cap].reshape(E, cap)
    ss = ss[:E * cap].reshape(E, cap)
    perm = jnp.argsort(-ss, axis=1)
    invp = jnp.argsort(perm, axis=1)
    dest = jnp.take_along_axis(ii, invp, axis=1)
    gidx = jnp.maximum(ii, 0)
    dest = jnp.maximum(dest, 0)

    o = pl.pallas_call(
        _probe_body,
        grid=(E, nf),
        in_specs=[
            pl.BlockSpec((1, cap, 1), lambda e, f: (e, 0, 0)),
            pl.BlockSpec((1, 1, cap), lambda e, f: (e, 0, 0)),
            pl.BlockSpec((1, 1, cap), lambda e, f: (e, 0, 0)),
            pl.BlockSpec((1, H, _FT), lambda e, f: (e, 0, f)),
            pl.BlockSpec((1, _FT, H), lambda e, f: (e, f, 0)),
        ],
        out_specs=pl.BlockSpec((1, _FT), lambda e, f: (0, 0)),
        out_shape=jax.ShapeDtypeStruct((1, _FT), jnp.float32),
        compiler_params=pltpu.CompilerParams(
            dimension_semantics=("arbitrary", "arbitrary")),
    )(gidx.reshape(E, cap, 1), dest.reshape(E, 1, cap),
      ss.reshape(E, 1, cap), W1, W2)

    out = jnp.zeros((B, S, H), jnp.float32) + o[0, :1] + aux
    return out, aux

# --- scband reference (transcript-rebuilt; emitter-appended) ---
"""Pipeline reference for scband-mo-eblock-78606491451538 (READ-ONLY COPY).

The authoritative reference and input builder live on the scoring server;
editing this copy changes nothing except your own understanding.
"""

import jax, jax.numpy as jnp
import numpy as np

HIDDEN = 1024
FFW = 4096
NUM_EXPERTS = 8
TOP_K = 2
AUX_COEF = 0.01


def _xavier(key, shape):
    fan_in, fan_out = shape[-2], shape[-1]
    limit = float(np.sqrt(6.0 / (fan_in + fan_out)))
    return jax.random.uniform(key, shape, jnp.float32, -limit, limit)


def setup_inputs(seed: int = 0):
    key = jax.random.key(seed)
    ks = jax.random.split(key, 8)
    x = jax.random.normal(ks[0], (1, 2048, HIDDEN), dtype=jnp.float32)
    Wg = _xavier(ks[1], (HIDDEN, NUM_EXPERTS))
    bg = jnp.zeros((NUM_EXPERTS,), jnp.float32)
    W1 = _xavier(ks[2], (NUM_EXPERTS, HIDDEN, FFW))
    b1 = jnp.zeros((NUM_EXPERTS, FFW), jnp.float32)
    W2 = _xavier(ks[3], (NUM_EXPERTS, FFW, HIDDEN))
    b2 = jnp.zeros((NUM_EXPERTS, HIDDEN), jnp.float32)
    return {"x": x, "Wg": Wg, "bg": bg, "W1": W1, "b1": b1, "W2": W2, "b2": b2}


def reference(x, Wg, bg, W1, b1, W2, b2):
    B, S, H = x.shape
    T = B * S
    xf = x.reshape(T, H)
    # GlobalRouter
    gate_logits = xf @ Wg + bg
    scores, expert_indices = jax.lax.top_k(gate_logits, TOP_K)
    scores = jax.nn.softmax(scores, axis=-1)
    expert_mask = jax.nn.one_hot(expert_indices, NUM_EXPERTS)
    f_i = jnp.mean(expert_mask, axis=(0, 1))
    m_i = jnp.mean(jax.nn.softmax(gate_logits, axis=-1), axis=0)
    aux_loss = AUX_COEF * jnp.sum(f_i * m_i) / NUM_EXPERTS
    # token-drop dispatch with capacity limit
    capacity = max(T * TOP_K // NUM_EXPERTS, 1)
    output = jnp.zeros_like(xf)
    for e in range(NUM_EXPERTS):
        mask_e = expert_mask[..., e]
        # _select_tokens
        token_indices = jnp.argwhere(mask_e, size=capacity, fill_value=-1)
        ii = token_indices[..., 0]
        jj = token_indices[..., 1]
        valid = (ii != -1) & (jj != -1)
        scores_expert = scores[ii, jj] * valid
        sort_order = jnp.argsort(-scores_expert)
        tokens = xf[ii][sort_order]
        scores_sorted = scores_expert[sort_order]
        # ExpertMLP
        h = jax.nn.relu(tokens @ W1[e] + b1[e])
        expert_out = h @ W2[e] + b2[e]
        # _scatter_outputs (NOTE: recomputes argwhere indices WITHOUT the sort,
        # exactly as the original module does)
        scatter_idx = jnp.argwhere(mask_e, size=capacity, fill_value=-1)[..., 0]
        valid_sc = scatter_idx != -1
        weighted = expert_out * scores_sorted[:, None] * valid_sc[:, None]
        output = output + jax.ops.segment_sum(weighted, scatter_idx, num_segments=T)
    return output.reshape(B, S, H), aux_loss

if __name__ == "__main__":
    import jax
    _d = setup_inputs()
    print(jax.jit(kernel)(*tuple(_d.values())))

</pallas_src>

<mosaic_0001>
module attributes {stable_mosaic.version = 14 : i64} {
  func.func @_probe_body(%arg0: i32, %arg1: i32, %arg2: memref<1x512x1xi32, #tpu.memory_space<vmem>>, %arg3: memref<1x1x512xi32, #tpu.memory_space<vmem>>, %arg4: memref<1x1x512xf32, #tpu.memory_space<vmem>>, %arg5: memref<1x1024x1024xf32, #tpu.memory_space<vmem>>, %arg6: memref<1x1024x1024xf32, #tpu.memory_space<vmem>>, %arg7: memref<1x1024xf32, #tpu.memory_space<vmem>>) attributes {dimension_semantics = [#tpu.dimension_semantics<arbitrary>, #tpu.dimension_semantics<arbitrary>], iteration_bounds = array<i64: 8, 4>, scalar_prefetch = 0 : i64, scratch_operands = 0 : i64, tpu.core_type = #tpu.core_type<tc>, window_params = [{transform_indices = @transform_0, window_bounds = array<i64: 1, 512, 1>}, {transform_indices = @transform_1, window_bounds = array<i64: 1, 1, 512>}, {transform_indices = @transform_2, window_bounds = array<i64: 1, 1, 512>}, {transform_indices = @transform_3, window_bounds = array<i64: 1, 1024, 1024>}, {transform_indices = @transform_4, window_bounds = array<i64: 1, 1024, 1024>}, {pipeline_mode = #tpu.pipeline_mode<synchronous>, transform_indices = @transform_5, window_bounds = array<i64: 1, 1024>}]} {
    %eq3A = arith.constant 0 : i32
    %eq3A_0 = arith.cmpi eq, %arg0, %eq3A : i32
    %eq3A_1 = arith.constant 0 : i32
    %eq3A_2 = arith.cmpi eq, %arg1, %eq3A_1 : i32
    %and3A = arith.andi %eq3A_0, %eq3A_2 : i1
    %convert_element_type3A = arith.extui %and3A : i1 to i32
    %cond3A = arith.constant 0 : i32
    %cond3A_3 = arith.cmpi ne, %convert_element_type3A, %cond3A : i32
    scf.if %cond3A_3 {
      %broadcast_in_dim3A_63 = arith.constant 0.000000e+00 : f32
      %broadcast_in_dim3A_64 = vector.broadcast %broadcast_in_dim3A_63 : f32 to vector<1x1024xf32>
      %swap3A_65 = arith.constant 0 : index
      %swap3A_66 = arith.constant 0 : index
      %swap3A_67 = vector.load %arg7[%swap3A_65, %swap3A_66] : memref<1x1024xf32, #tpu.memory_space<vmem>>, vector<1x1024xf32>
      tpu.vector_store %arg7[%swap3A_65, %swap3A_66], %broadcast_in_dim3A_64 {strides = array<i32>} : memref<1x1024xf32, #tpu.memory_space<vmem>>, vector<1x1024xf32>,
    } else {
    }
    %get3A = arith.constant 0 : index
    %get3A_4 = arith.constant 0 : index
    %get3A_5 = vector.load %arg7[%get3A, %get3A_4] : memref<1x1024xf32, #tpu.memory_space<vmem>>, vector<1x1024xf32>
    %get3A_6 = arith.constant 0 : index
    %get3A_7 = arith.constant 0 : index
    %get3A_8 = arith.constant 0 : index
    %get3A_9 = vector.load %arg5[%get3A_6, %get3A_7, %get3A_8] : memref<1x1024x1024xf32, #tpu.memory_space<vmem>>, vector<1x1024x1024xf32>
    %get3A_10 = vector.shape_cast %get3A_9 : vector<1x1024x1024xf32> to vector<1024x1024xf32>
    %reduce_sum3A = arith.constant dense<0.000000e+00> : vector<1024xf32>
    %reduce_sum3A_11 = vector.multi_reduction <add>, %get3A_10, %reduce_sum3A [0] : vector<1024x1024xf32> to vector<1024xf32>
    %broadcast_in_dim3A = vector.shape_cast %reduce_sum3A_11 : vector<1024xf32> to vector<1x1024xf32>
    %get3A_12 = arith.constant 0 : index
    %get3A_13 = arith.constant 0 : index
    %get3A_14 = arith.constant 0 : index
    %get3A_15 = vector.load %arg6[%get3A_12, %get3A_13, %get3A_14] : memref<1x1024x1024xf32, #tpu.memory_space<vmem>>, vector<1x1024x1024xf32>
    %get3A_16 = vector.shape_cast %get3A_15 : vector<1x1024x1024xf32> to vector<1024x1024xf32>
    %reduce_sum3A_17 = arith.constant dense<0.000000e+00> : vector<1024xf32>
    %reduce_sum3A_18 = vector.multi_reduction <add>, %get3A_16, %reduce_sum3A_17 [0] : vector<1024x1024xf32> to vector<1024xf32>
    %broadcast_in_dim3A_19 = vector.shape_cast %reduce_sum3A_18 : vector<1024xf32> to vector<1x1024xf32>
    %add3A = arith.addf %broadcast_in_dim3A, %broadcast_in_dim3A_19 : vector<1x1024xf32>
    %get3A_20 = arith.constant 0 : index
    %get3A_21 = arith.constant 0 : index
    %get3A_22 = arith.constant 0 : index
    %get3A_23 = vector.load %arg4[%get3A_20, %get3A_21, %get3A_22] : memref<1x1x512xf32, #tpu.memory_space<vmem>>, vector<1x1x512xf32>
    %get3A_24 = vector.shape_cast %get3A_23 : vector<1x1x512xf32> to vector<1x512xf32>
    %slice3A = vector.extract_strided_slice %get3A_24 {offsets = [0, 0], sizes = [1, 256], strides = [1, 1]} : vector<1x512xf32> to vector<1x256xf32>
    %reduce_sum3A_25 = vector.shape_cast %slice3A : vector<1x256xf32> to vector<1x1x256xf32>
    %reduce_sum3A_26 = arith.constant dense<0.000000e+00> : vector<1xf32>
    %reduce_sum3A_27 = vector.multi_reduction <add>, %reduce_sum3A_25, %reduce_sum3A_26 [1, 2] : vector<1x1x256xf32> to vector<1xf32>
    %reduce_sum3A_28 = vector.shape_cast %reduce_sum3A_27 : vector<1xf32> to vector<1x1x1xf32>
    %reduce_sum3A_29 = vector.extract %reduce_sum3A_28[0, 0, 0] : f32 from vector<1x1x1xf32>
    %add3A_30 = vector.broadcast %reduce_sum3A_29 : f32 to vector<1x1024xf32>
    %add3A_31 = arith.addf %add3A, %add3A_30 : vector<1x1024xf32>
    %get3A_32 = arith.constant 0 : index
    %get3A_33 = arith.constant 0 : index
    %get3A_34 = arith.constant 0 : index
    %get3A_35 = vector.load %arg2[%get3A_32, %get3A_33, %get3A_34] : memref<1x512x1xi32, #tpu.memory_space<vmem>>, vector<1x512x1xi32>
    %get3A_36 = vector.shape_cast %get3A_35 : vector<1x512x1xi32> to vector<512x1xi32>
    %convert_element_type3A_37 = arith.sitofp %get3A_36 : vector<512x1xi32> to vector<512x1xf32>
    %slice3A_38 = vector.extract_strided_slice %convert_element_type3A_37 {offsets = [0, 0], sizes = [256, 1], strides = [1, 1]} : vector<512x1xf32> to vector<256x1xf32>
    %reduce_sum3A_39 = vector.shape_cast %slice3A_38 : vector<256x1xf32> to vector<1x256x1xf32>
    %reduce_sum3A_40 = arith.constant dense<0.000000e+00> : vector<1xf32>
    %reduce_sum3A_41 = vector.multi_reduction <add>, %reduce_sum3A_39, %reduce_sum3A_40 [1, 2] : vector<1x256x1xf32> to vector<1xf32>
    %reduce_sum3A_42 = vector.shape_cast %reduce_sum3A_41 : vector<1xf32> to vector<1x1x1xf32>
    %reduce_sum3A_43 = vector.extract %reduce_sum3A_42[0, 0, 0] : f32 from vector<1x1x1xf32>
    %add3A_44 = vector.broadcast %reduce_sum3A_43 : f32 to vector<1x1024xf32>
    %add3A_45 = arith.addf %add3A_31, %add3A_44 : vector<1x1024xf32>
    %get3A_46 = arith.constant 0 : index
    %get3A_47 = arith.constant 0 : index
    %get3A_48 = arith.constant 0 : index
    %get3A_49 = vector.load %arg3[%get3A_46, %get3A_47, %get3A_48] : memref<1x1x512xi32, #tpu.memory_space<vmem>>, vector<1x1x512xi32>
    %get3A_50 = vector.shape_cast %get3A_49 : vector<1x1x512xi32> to vector<1x512xi32>
    %convert_element_type3A_51 = arith.sitofp %get3A_50 : vector<1x512xi32> to vector<1x512xf32>
    %slice3A_52 = vector.extract_strided_slice %convert_element_type3A_51 {offsets = [0, 0], sizes = [1, 256], strides = [1, 1]} : vector<1x512xf32> to vector<1x256xf32>
    %reduce_sum3A_53 = vector.shape_cast %slice3A_52 : vector<1x256xf32> to vector<1x1x256xf32>
    %reduce_sum3A_54 = arith.constant dense<0.000000e+00> : vector<1xf32>
    %reduce_sum3A_55 = vector.multi_reduction <add>, %reduce_sum3A_53, %reduce_sum3A_54 [1, 2] : vector<1x1x256xf32> to vector<1xf32>
    %reduce_sum3A_56 = vector.shape_cast %reduce_sum3A_55 : vector<1xf32> to vector<1x1x1xf32>
    %reduce_sum3A_57 = vector.extract %reduce_sum3A_56[0, 0, 0] : f32 from vector<1x1x1xf32>
    %add3A_58 = vector.broadcast %reduce_sum3A_57 : f32 to vector<1x1024xf32>
    %add3A_59 = arith.addf %add3A_45, %add3A_58 : vector<1x1024xf32>
    %add3A_60 = arith.addf %get3A_5, %add3A_59 : vector<1x1024xf32>
    %swap3A = arith.constant 0 : index
    %swap3A_61 = arith.constant 0 : index
    %swap3A_62 = vector.load %arg7[%swap3A, %swap3A_61] : memref<1x1024xf32, #tpu.memory_space<vmem>>, vector<1x1024xf32>
    tpu.vector_store %arg7[%swap3A, %swap3A_61], %add3A_60 {strides = array<i32>} : memref<1x1024xf32, #tpu.memory_space<vmem>>, vector<1x1024xf32>,
    return
  }
  func.func @transform_0(%arg0: i32, %arg1: i32) -> (i32, i32, i32) {
    %c0_i32 = arith.constant 0 : i32
    %c0_i32_0 = arith.constant 0 : i32
    %c0_i32_1 = arith.constant 0 : i32
    return %arg0, %c0_i32, %c0_i32_0 : i32, i32, i32
  }
  func.func @transform_1(%arg0: i32, %arg1: i32) -> (i32, i32, i32) {
    %c0_i32 = arith.constant 0 : i32
    %c0_i32_0 = arith.constant 0 : i32
    %c0_i32_1 = arith.constant 0 : i32
    return %arg0, %c0_i32, %c0_i32_0 : i32, i32, i32
  }
  func.func @transform_2(%arg0: i32, %arg1: i32) -> (i32, i32, i32) {
    %c0_i32 = arith.constant 0 : i32
    %c0_i32_0 = arith.constant 0 : i32
    %c0_i32_1 = arith.constant 0 : i32
    return %arg0, %c0_i32, %c0_i32_0 : i32, i32, i32
  }
  func.func @transform_3(%arg0: i32, %arg1: i32) -> (i32, i32, i32) {
    %c0_i32 = arith.constant 0 : i32
    %c0_i32_0 = arith.constant 0 : i32
    return %arg0, %c0_i32, %arg1 : i32, i32, i32
  }
  func.func @transform_4(%arg0: i32, %arg1: i32) -> (i32, i32, i32) {
    %c0_i32 = arith.constant 0 : i32
    %c0_i32_0 = arith.constant 0 : i32
    return %arg0, %arg1, %c0_i32 : i32, i32, i32
  }
  func.func @transform_5(%arg0: i32, %arg1: i32) -> (i32, i32) {
    %c0_i32 = arith.constant 0 : i32
    %c0_i32_0 = arith.constant 0 : i32
    %c0_i32_1 = arith.constant 0 : i32
    return %c0_i32, %c0_i32_0 : i32, i32
  }
}

</mosaic_0001>

<sc_bundles>
// kernel: gather_offload_async_start.1
scs
__scs_entry_jumppad:
0x0: {  	(pc) =	sbr.rel $0x88, $3  }
0x1: {  	(tag) =	ssettag $0x0;
	lr =	simm.s32 $0x1  }
0x2: {  	[smem:$0x3F9C] =	sst lr;
	_ =	strace $0xD0000000  }
0x3: {  	_ = 	snop  }
0x4: {  	_ = 	snop  }
0x5: {  	_ = 	snop  }
0x6: {  	_ = 	snop  }
0x7: {  	_ = 	snop  }
__scs_overlays_trampoline_lowered:
0x8: {  	[smem:$0x3FAB] =	sst s0  }
0x9: {  	[smem:$0x3FAC] =	sst s1  }
0xa: {  	[smem:$0x3FAD] =	sst s2  }
0xb: {  	[smem:$0x3FAE] =	sst s3  }
0xc: {  	[smem:$0x3FAF] =	sst s4  }
0xd: {  	[smem:$0x3FB0] =	sst s5  }
0xe: {  	[smem:$0x3FB1] =	sst s6  }
0xf: {  	[smem:$0x3FB2] =	sst s7  }
0x10: {  	[smem:$0x3FB3] =	sst s8  }
0x11: {  	[smem:$0x3FB4] =	sst s9;
	s0 =	simm.s32 @!p0 $0x0  }
0x12: {  	s1 =	sld [smem:$0x3F9A];
	s0 =	simm.s32 @p0 $0x1  }
0x13: {  	[smem:$0x3FB5] =	sst s0;
	s0 =	simm.s32 @!p1 $0x0  }
0x14: {  	s2 =	sld [smem:$0x3F99];
	s0 =	simm.s32 @p1 $0x1  }
0x15: {  	[smem:$0x3FB6] =	sst s0;
	s0 =	simm.s32 @!p2 $0x0  }
0x16: {  	s3 =	sld [smem:$0x3FDB];
	s0 =	simm.s32 @p2 $0x1  }
0x17: {  	s4 =	simm.s32 $0x1BF5;
	[smem:$0x3FB8] =	sst s0  }
0x18: {  	s0 =	sld [smem:$0x3F9B];
	_ =	swait.ge [sflag:s4], $0x0  }
0x19: {  	s7 =	sld [smem:$0x3F9C]  }
0x1a: {  	s8 =	sadd.s32 $0xFFFFE003, lr  }
0x1b: {  	s9 =	sadd.s32 $0xFFFFFEF7, lr;
	s5 =	simm.s32 $0xFFFFFFFF;
	p2 =	slt.u32 s8, $0xFFFFF086  }
0x1c: {  	p1 =	slt.u32 s9, $0xF7A;
	s5 =	simm.s32 @!p2 $0x0  }
0x1d: {  	s5 =	simm.s32 @p1 $0x1;
	p0 =	seq.s32 s7, s2  }
0x1e: {  	s7 =	smul.u32 @!p0 $0xF7A, s2;
	p2 =	seq.s32 @!p0 s5, $0x0  }
0x1f: {  	s9 =	smul.u32 $0xF7A, s1;
	s8 =	simm.s32 @!p0 $0x1BF5;
	p2 =	por !p2, p0  }
0x20: {  	[sflag:s8] =	ssyncset.s32 @!p0 $0xFFFFF086;
	s6 =	sadd.s32 @!p0 s3, s7;
	s7 =	simm.s32 @!p0 $0x108  }
0x21: {  	s3 =	sadd.s32 s3, s9;
	s6 =	sadd.s32 @!p0 $0x88, s6;
	s7 =	simm.s32 @p2 $0x1082  }
0x22: {  	[simem:s7], [sflag:s8] =	dma.local @!p0 [hbm:s6], $0xF7A  }
0x23: {  	s9 =	sor.u32 $0xD0000000, s2;
	s6 =	simm.s32 $0x108;
	_ =	swait.ge @!p0 [sflag:s8], $0x0  }
0x24: {  	s3 =	sadd.s32 $0x88, s3;
	s6 =	simm.s32 @!p1 $0x1082;
	[sflag:s4] =	ssyncset.s32 $0xFFFFF086  }
0x25: {  	[simem:s6], [sflag:s4] =	dma.local [hbm:s3], $0xF7A  }
0x26: {  	[smem:$0x3F9C] =	sst s1;
	(tag) =	ssettag s2;
	_ =	strace s9  }
0x27: {  	s1 =	sld [smem:$0x3FAC]  }
0x28: {  	s2 =	sld [smem:$0x3FAD]  }
0x29: {  	s4 =	sld [smem:$0x3FAF]  }
0x2a: {  	p0 =	seq.s32 s5, $0x0;
	s5 =	sld [smem:$0x3FB0]  }
0x2b: {  	s6 =	sld [smem:$0x3FB1]  }
0x2c: {  	s7 =	sld [smem:$0x3FB2]  }
0x2d: {  	s3 =	simm.s32 $0x108;
	s8 =	sld [smem:$0x3FB3]  }
0x2e: {  	s3 =	simm.s32 @!p0 $0x1082;
	s9 =	sld [smem:$0x3FB4]  }
0x2f: {  	lr =	sadd.s32 s0, s3;
	s0 =	sld [smem:$0x3FAB]  }
0x30: {  	s3 =	sld [smem:$0x3FAE]  }
0x31: {  	[smem:$0x3FB7] =	sst s10  }
0x32: {  	s10 =	sld [smem:$0x3FB5];
	_ =	sdelay $0x3  }
0x33: {  	p0 =	seq.s32 s10, $0x1;
	s10 =	sld [smem:$0x3FB7];
	_ =	sdelay $0x3  }
0x34: {  	[smem:$0x3FB7] =	sst s10  }
0x35: {  	s10 =	sld [smem:$0x3FB6];
	_ =	sdelay $0x3  }
0x36: {  	p1 =	seq.s32 s10, $0x1;
	s10 =	sld [smem:$0x3FB7];
	_ =	sdelay $0x3  }
0x37: {  	[smem:$0x3FB7] =	sst s10  }
0x38: {  	s10 =	sld [smem:$0x3FB8]  }
0x39: {  	_ = 	snop;
	(pc) =	sbr.ind lr, $3  }
0x3a: {  	_ = 	snop  }
0x3b: {  	_ = 	snop  }
0x3c: {  	p2 =	seq.s32 s10, $0x1;
	s10 =	sld [smem:$0x3FB7]  }
0x3d: {  	_ =	shalt  }
0x3e: {  	_ =	shalt  }
0x3f: {  	_ =	shalt  }
0x40: {  	_ =	shalt  }
0x41: {  	_ =	shalt  }
0x42: {  	_ =	shalt  }
0x43: {  	_ =	shalt  }
0x44: {  	_ =	shalt  }
0x45: {  	_ =	shalt  }
0x46: {  	_ =	shalt  }
0x47: {  	_ =	shalt  }
0x48: {  	_ =	shalt  }
0x49: {  	_ =	shalt  }
0x4a: {  	_ =	shalt  }
0x4b: {  	_ =	shalt  }
0x4c: {  	_ =	shalt  }
0x4d: {  	_ =	shalt  }
0x4e: {  	_ =	shalt  }
0x4f: {  	_ =	shalt  }
0x50: {  	_ =	shalt  }
0x51: {  	_ =	shalt  }
0x52: {  	_ =	shalt  }
0x53: {  	_ =	shalt  }
0x54: {  	_ =	shalt  }
0x55: {  	_ =	shalt  }
0x56: {  	_ =	shalt  }
0x57: {  	_ =	shalt  }
0x58: {  	_ =	shalt  }
0x59: {  	_ =	shalt  }
0x5a: {  	_ =	shalt  }
0x5b: {  	_ =	shalt  }
0x5c: {  	_ =	shalt  }
0x5d: {  	_ =	shalt  }
0x5e: {  	_ =	shalt  }
0x5f: {  	_ =	shalt  }
0x60: {  	_ =	shalt  }
0x61: {  	_ =	shalt  }
0x62: {  	_ =	shalt  }
0x63: {  	_ =	shalt  }
0x64: {  	_ =	shalt  }
0x65: {  	_ =	shalt  }
0x66: {  	_ =	shalt  }
0x67: {  	_ =	shalt  }
0x68: {  	_ =	shalt  }
0x69: {  	_ =	shalt  }
0x6a: {  	_ =	shalt  }
0x6b: {  	_ =	shalt  }
0x6c: {  	_ =	shalt  }
0x6d: {  	_ =	shalt  }
0x6e: {  	_ =	shalt  }
0x6f: {  	_ =	shalt  }
0x70: {  	_ =	shalt  }
0x71: {  	_ =	shalt  }
0x72: {  	_ =	shalt  }
0x73: {  	_ =	shalt  }
0x74: {  	_ =	shalt  }
0x75: {  	_ =	shalt  }
0x76: {  	_ =	shalt  }
0x77: {  	_ =	shalt  }
0x78: {  	_ =	shalt  }
0x79: {  	_ =	shalt  }
0x7a: {  	_ =	shalt  }
0x7b: {  	_ =	shalt  }
0x7c: {  	_ =	shalt  }
0x7d: {  	_ =	shalt  }
0x7e: {  	_ =	shalt  }
0x7f: {  	_ =	shalt  }
0x80: {  	_ =	shalt  }
0x81: {  	_ =	shalt  }
0x82: {  	_ =	shalt  }
0x83: {  	_ =	shalt  }
0x84: {  	_ =	shalt  }
0x85: {  	_ =	shalt  }
0x86: {  	_ =	shalt  }
0x87: {  	_ =	shalt  }
.Lfunc_end0:
.L_simem_size_0:
called_computation.1_lowered:
.L_overlay_start_0:
0x88: {  	s2 =	sld [smem:$0x3FD9]  }
0x89: {  	s3 =	sld [smem:$0x3FFE];
	_ =	sdelay $0x1  }
0x8a: {  	s1 =	srdreg.scid  }
0x8b: {  	s0 =	sand.u32 $0x1, s1  }
0x8c: {  	s14 =	sshll.u32 s0, $0xA;
	s2 =	sadd.s32 s3, s2  }
0x8d: {  	s2 =	sadd.s32 s2, s14  }
0x8e: {  	[smem:$0x3FC3] =	sst s2  }
0x8f: {  	_ = 	snop  }
0x90: {  	s2 =	sld [smem:$0x3FD0];
	_ =	sdelay $0x2  }
0x91: {  	s15 =	simm.s32 $0xA;
	s4 =	simm.s32 $0x10  }
0x92: {  	[smem:s4], [sflag:s15] =	dma.local [hbm:s2], $0x1  }
0x93: {  	_ =	swait.eq [sflag:s15], $0x1  }
0x94: {  	[sflag:s15] =	ssyncset.done $0x0  }
0x95: {  	[sflag:s15] =	ssyncadd.s32 $0xFFFFFFFF  }
0x96: {  	s16 =	sld [smem:$0x10];
	(tm) =	ssettm $0x1  }
0x97: {  	s17 =	sld [smem:$0x3FFB];
	_ =	sdelay $0x3  }
0x98: {  	_ =	strace s17  }
0x99: {  	s3 =	sld [smem:$0x3FFC];
	_ =	sdelay $0x3  }
0x9a: {  	_ =	strace s3  }
0x9b: {  	s3 =	sld [smem:$0x3FFD];
	_ =	sdelay $0x3  }
0x9c: {  	_ =	strace s3  }
0x9d: {  	_ =	strace $0x8FFFFFFF  }
0x9e: {  	s18 =	sld [smem:$0x3FDB];
	_ =	sdelay $0x1  }
0x9f: {  	s19 =	simm.s32 $_scs_section_size  }
0xa0: {  	s5 =	simm.s32 $_size__tile_overlayer_lowered;
	s6 =	simm.s32 $_tile_overlayer_lowered  }
0xa1: {  	s22 =	simm.s32 $0x1BFF;
	s21 =	sshll.u32 s6, $0x1;
	s3 =	sadd.s32 s19, s18  }
0xa2: {  	s7 =	simm.s32 $0x0;
	s20 =	sshll.u32 s5, $0x1;
	s5 =	sadd.s32 s21, s3  }
0xa3: {  	[timem:s7], [sflag:s22] =	dma.local [hbm:s5], s20  }
0xa4: {  	_ =	swait.ge [sflag:s22], s20  }
0xa5: {  	s4 =	ssub.s32 $0x0, s20;
	[sflag:s22] =	ssyncset.done $0x0  }
0xa6: {  	[sflag:s22] =	ssyncadd.s32 s4;
	_ =	sdelay $0x1  }
0xa7: {  	s23 =	simm.s32 $0x1B8B  }
0xa8: {  	_ =	swait.ge [sflag:s23], $0x1  }
0xa9: {  	[sflag:s23] =	ssyncset.done $0x0  }
0xaa: {  	s25 =	simm.s32 $0x1B8E;
	s24 =	sld [smem:$0x3FFE];
	[sflag:s23] =	ssyncadd.s32 $0xFFFFFFFF  }
0xab: {  	s26 =	simm.s32 $execute0_lowered;
	[smem:$0x3FD2] =	sst s25  }
0xac: {  	s5 =	sshll.u32 s26, $0x1;
	_ =	strace $0x80000049;
	[dreg:$0x1] =	wrdreg $0xFFFFFFFF  }
0xad: {  	s28 =	simm.s32 $_size_execute0_lowered;
	s3 =	sadd.s32 s3, s5;
	[dreg:$0x0] =	wrdreg $0x0  }
0xae: {  	s5 =	sshll.u32 s28, $0x1;
	[dreg:$0x2] =	wrdreg s3  }
0xaf: {  	[dreg:$0x3] =	wrdreg s5  }
0xb0: {  	[dreg:$0x4] =	wrdreg $0xC0  }
0xb1: {  	_ =	task [dreg:s7], $0x5FFFF  }
0xb2: {  	[dreg:$0x1] =	wrdreg $0xFFFFFFFF  }
0xb3: {  	[dreg:$0x0] =	wrdreg $0x60  }
0xb4: {  	[dreg:$0x2] =	wrdreg s16  }
0xb5: {  	[dreg:$0x3] =	wrdreg s24  }
0xb6: {  	[dreg:$0x4] =	wrdreg $0x9  }
0xb7: {  	_ =	task.clear_ibuf [dreg:s7], $0x5FFFF;
	_ =	strace $0x90000049  }
0xb8: {  	s29 =	simm.s32 $0x9;
	_ =	strace $0x8000004B  }
0xb9: {  	_ =	swait.ge [sflag:s29], $0x1  }
0xba: {  	[sflag:s29] =	ssyncadd.s32 $0xFFFFFFFF  }
0xbb: {  	_ =	strace $0x9000004B  }
0xbc: {  	_ =	sfence  }
0xbd: {  	s30 =	sld [smem:$0x0];
	_ =	sdelay $0x2  }
0xbe: {  	s31 =	sshll.u32 s1, $0xD;
	s1 =	sshrl.u32 s1, $0x2  }
0xbf: {  	s3 =	sand.u32 $0x4000, s31;
	s1 =	sadd.s32 s1, s30  }
0xc0: {  	s0 =	sor.u32 s3, s0;
	s1 =	sshll.u32 s1, $0x11  }
0xc1: {  	s0 =	sor.u32 s1, s0  }
0xc2: {  	s0 =	sadd.s32 $0x8F2B, s0  }
0xc3: {  	[sflag:s0] =	ssyncadd.remote.s32 $0x1  }
0xc4: {  	_ =	sfence.sel $0xFFFF  }
0xc5: {  	[dreg:$0x0] =	wrdreg $0xFFFFFFFF;
	(pc) =	sbr.abs _section_cstart, $3  }
0xc6: {  	[dreg:$0x1] =	wrdreg $0xFFFFFFFF  }
0xc7: {  	_ =	task.clear_ibuf [dreg:s7], $0x2FFFF;
	_ =	strace $0x9FFFFFFF  }
0xc8: {  	(tm) =	ssettm $0x7FFFFFFF  }
0xc9: {  	_ =	shalt  }
tec
execute0_lowered:
.L_overlay_start_1:
0x0: {  	(tag) =	ssettag $0x1  }
0x1: {  	s1 =	srdreg.scid;
	s2 =	rddreg [dreg:$0x0]  }
0x2: {  	s0 =	stileid.u32;
	s3 =	rddreg [dreg:$0x1]  }
0x3: {  	s6 =	simm.s32 $0x1;
	s9 =	simm.s32 $0x1;
	s1 =	sshll.u32 s1, $0x6  }
0x4: {  	s10 =	simm.s32 $0x3;
	s4 =	sshll.u32 s0, $0x7;
	s5 =	sand.u32 $0x40, s1  }
0x5: {  	s13 =	simm.s32 $0x0;
	s12 =	simm.s32 $0x0;
	s4 =	sor.u32 s4, s5  }
0x6: {  	s1 =	rddreg [dreg:$0x2];
	_ =	strace $0x8000004A;
	s8 =	ssub.s32 $0x1000, s4  }
.Ltmp0:
0x7: {  	s5 =	sadd.s32 $0x200, s3;
	s7 =	sand.u32 $0x7C0, s8;
	(pc) =	sbr.rel .LBB2_1-.Ltmp0, $4  }
0x8: {  	[sflag:s6] =	ssyncpa.u1 $0x0;
	s11 =	smov.u32 s4;
	p0 =	sne.s32 s7, $0x0  }
0x9: {  	s8 =	sshrl.u32 s8, $0xB;
	s7 =	simm.s32 $0x2;
	s9 =	simm.s32 @!p0 $0x0  }
0xa: {  	[sflag:s7] =	ssyncpa.u1 $0x0;
	p0 =	por $0x0, $0x0;
	s8 =	sadd.s32 s9, s8  }
0xb: {  	vm0 =	vmmov $0xffff;
	[sflag:s10] =	ssyncpa.u1 $0x0;
	s10 =	simm.s32 $0x0;
	s9 =	sadd.s32 $0x1, s8  }
.LBB2_4:
0xc: {  	vm1 =	veq.s32 v1, $0x80000000;
	v2 =	vand.u32 $0x1FF, v2  }
0xd: {  	v63 =	vand.u32 $0x7, v1;
	v2 =	vsel vm1, $0xFFFFFFFF, v2  }
0xe: {  	v1 =	vsel vm1, $0xFFFFFFFF, v63;
	v3 =	vshll.u32 v2, $0x3  }
0xf: {  	v4 =	vand.u32 $0xFFFFF000, v1;
	v1 =	vshll.u32 v1, $0x7;
	v3 =	vand.u32 $0xFFFFFC00, v3  }
0x10: {  	v1 =	vand.u32 $0x380, v1;
	v3 =	vadd.s32 v4, v3  }
0x11: {  	v2 =	vand.u32 $0x7F, v2;
	v1 =	vor.u32 v1, v3  }
0x12: {  	v1 =	vor.u32 v2, v1;
	_ =	sdelay $0x1  }
0x13: {  	(ifvalue) =	ssetifvalue $0x7FFFFFFF;
	s14 =	sadd.s32 $0x10, s14  }
0x14: {  	[tilespmem:s14], [sflag:$0x1] =	stream.indirect_vreg.gather [hbm4b:s2+s10], $0x1, v0, vm0, $0x4038;
	[tilespmem:$0x100] =	vst v63  }
0x15: {  	(ifvalue) =	ssetifvalue $0x7FFFFFFF;
	s14 =	sadd.s32 $0x10, s14  }
0x16: {  	[tilespmem:s14], [sflag:$0x1] =	stream.indirect_vreg.gather [hbm4b:s2+s10], $0x1, v1, vm0, $0x4038;
	[tilespmem:$0x100] =	vst v63  }
0x17: {  	_ =	swait.ge [sflag:s6], $0x40  }
0x18: {  	s30 =	sshrl.u32 s13, $0x3;
	[sflag:s6] =	ssyncset.done $0x0  }
0x19: {  	s31 =	sand.u32 $0x7, s13;
	s14 =	sadd.s32 s5, s30;
	[sflag:s6] =	ssyncadd.s32 $0xFFFFFFC0  }
0x1a: {  	[hbm4b:s14+s31] =	stream.linear.scatter [tilespmem:s15], [sflag:$0x3], $0x40, $0x38;
	[tilespmem:$0x100] =	vst v63  }
.LBB2_5:
0x1b: {  	s15 =	sadd.s32 $0x800, s11  }
0x1c: {  	p2 =	sgt.s32 s15, $0xFFF  }
0x1d: {  	s15 =	smov.u32 @p2 s4;
	p2 =	sne.s32 s12, s9  }
.Ltmp1:
0x1e: {  	p1 =	slt.u32 s12, $0x2;
	(pc) =	sbr.rel @!p2 .LBB2_6-.Ltmp1, $4  }
0x1f: {  	s14 =	simm.s32 @!p1 $0x3  }
0x20: {  	s16 =	sadd.s32 $0x1, s12;
	_ =	swait.ge @!p1 [sflag:s14], $0x40  }
0x21: {  	s13 =	smov.u32 s11;
	p0 =	por !p0, !p0;
	[sflag:s14] =	ssyncset.done @!p1 $0x0  }
0x22: {  	s12 =	smov.u32 s16;
	s11 =	smov.u32 s15;
	[sflag:s14] =	ssyncadd.s32 @!p1 $0xFFFFFFC0  }
.LBB2_1:
0x23: {  	p1 =	sge.u32 s12, s8  }
0x24: {  	s14 =	sxor.u32 @!p1 $0xFFFFFFFF, s12  }
0x25: {  	s31 =	sadd.s32 $0xFFFFFFFF, s12;
	s15 =	sshrl.u32 @!p1 s11, $0x3;
	s14 =	sshll.u32 @!p1 s14, $0x6  }
0x26: {  	s16 =	sand.u32 @!p1 $0x7, s11;
	s15 =	sadd.s32 @!p1 s3, s15;
	s14 =	sand.u32 @!p1 $0x40, s14  }
0x27: {  	[tilespmem:s14], [sflag:$0x2] =	stream.linear.gather @!p1 [hbm4b:s15+s16], $0x40, $0x38;
	[tilespmem:$0x100] =	vst v63  }
0x28: {  	p1 =	sge.u32 s31, s8  }
.Ltmp2:
0x29: {  	_ = 	snop;
	(pc) =	sbr.rel @p1 .LBB2_5-.Ltmp2, $1  }
0x2a: {  	_ =	sdelay $0x3  }
0x2b: {  	s14 =	simm.s32 $0x1  }
0x2c: {  	_ =	swait.ge [sflag:s7], $0x40;
	s14 =	simm.s32 @!p0 $0x0  }
0x2d: {  	[sflag:s7] =	ssyncset.done $0x0;
	s14 =	sshll.u32 s14, $0x6  }
0x2e: {  	[sflag:s7] =	ssyncadd.s32 $0xFFFFFFC0;
	(ifvalue) =	ssetifvalue $0x7FFFFFFF;
	v0 =	vld.msk [tilespmem:s14+$0x0 ss:$0x1], $0xffff;
	_ =	sdelay $0x4  }
0x2f: {  	s15 =	sadd.s32 $0x10, s14;
	v1 =	vshrl.u32 v0, $0x3  }
0x30: {  	v2 =	vld.msk [tilespmem:s15+$0x0 ss:$0x1], $0xffff;
	vm1 =	veq.s32 v0, $0x80000000;
	v1 =	vand.u32 $0x1FF, v1  }
0x31: {  	v0 =	vand.u32 $0x7, v0;
	v1 =	vsel vm1, $0xFFFFFFFF, v1  }
0x32: {  	v0 =	vsel vm1, $0xFFFFFFFF, v0;
	v3 =	vshll.u32 v1, $0x3  }
0x33: {  	v4 =	vand.u32 $0xFFFFF000, v0;
	v0 =	vshll.u32 v0, $0x7;
	v3 =	vand.u32 $0xFFFFFC00, v3  }
0x34: {  	v0 =	vand.u32 $0x380, v0;
	v3 =	vadd.s32 v4, v3  }
0x35: {  	v1 =	vand.u32 $0x7F, v1;
	v0 =	vor.u32 v0, v3;
	v3 =	vshrl.u32 v2, $0x3  }
0x36: {  	s17 =	sadd.s32 $0x10, s15;
	vm1 =	veq.s32 v2, $0x80000000;
	v0 =	vor.u32 v1, v0;
	v3 =	vand.u32 $0x1FF, v3  }
0x37: {  	v2 =	vand.u32 $0x7, v2;
	v1 =	vld.msk [tilespmem:s17+$0x0 ss:$0x1], $0xffff;
	v3 =	vsel vm1, $0xFFFFFFFF, v3  }
0x38: {  	v2 =	vsel vm1, $0xFFFFFFFF, v2;
	v63 =	vshll.u32 v3, $0x3  }
0x39: {  	s31 =	sshll.u32 s12, $0x6;
	v5 =	vand.u32 $0xFFFFF000, v2;
	v2 =	vshll.u32 v2, $0x7;
	v4 =	vand.u32 $0xFFFFFC00, v63  }
0x3a: {  	s14 =	sor.u32 $0x80, s14;
	s15 =	sand.u32 $0x40, s31;
	(ifvalue) =	ssetifvalue $0x7FFFFFFF;
	v2 =	vand.u32 $0x380, v2;
	v4 =	vadd.s32 v5, v4  }
0x3b: {  	[tilespmem:s14], [sflag:$0x1] =	stream.indirect_vreg.gather [hbm4b:s2+s10], $0x1, v0, vm0, $0x4038;
	v0 =	vand.u32 $0x7F, v3;
	v3 =	vor.u32 v2, v4;
	[tilespmem:$0x100] =	vst v63  }
0x3c: {  	s16 =	simm.s32 $0x20;
	s15 =	sor.u32 $0x80, s15;
	s17 =	sadd.s32 $0x10, s17;
	v2 =	vshrl.u32 v1, $0x3;
	v0 =	vor.u32 v0, v3  }
.LBB2_3:
0x3d: {  	v3 =	vld.msk [tilespmem:s17+$0x0 ss:$0x1], $0xffff;
	s16 =	sadd.s32 $0x10, s16;
	vm1 =	veq.s32 v1, $0x80000000;
	v2 =	vand.u32 $0x1FF, v2  }
0x3e: {  	v1 =	vand.u32 $0x7, v1;
	p1 =	slt.u32 s16, $0x30;
	v2 =	vsel vm1, $0xFFFFFFFF, v2  }
.Ltmp3:
0x3f: {  	v1 =	vsel vm1, $0xFFFFFFFF, v1;
	v4 =	vshll.u32 v2, $0x3;
	(pc) =	sbr.rel @p1 .LBB2_3-.Ltmp3, $4  }
0x40: {  	s14 =	sadd.s32 $0x10, s14;
	v5 =	vand.u32 $0xFFFFF000, v1;
	v1 =	vshll.u32 v1, $0x7;
	v4 =	vand.u32 $0xFFFFFC00, v4;
	(ifvalue) =	ssetifvalue $0x7FFFFFFF  }
0x41: {  	v4 =	vadd.s32 v5, v4;
	v5 =	vand.u32 $0x380, v1;
	[tilespmem:s14], [sflag:$0x1] =	stream.indirect_vreg.gather [hbm4b:s2+s10], $0x1, v0, vm0, $0x4038;
	[tilespmem:$0x100] =	vst v63  }
0x42: {  	v0 =	vand.u32 $0x7F, v2;
	v4 =	vor.u32 v5, v4  }
0x43: {  	s17 =	sadd.s32 $0x10, s17;
	v2 =	vshrl.u32 v3, $0x3;
	v1 =	vmov v3;
	v0 =	vor.u32 v0, v4  }
.Ltmp4:
0x44: {  	_ = 	snop;
	(pc) =	sbr.rel .LBB2_4-.Ltmp4, $1  }
0x45: {  	_ =	sdelay $0x3  }
.LBB2_6:
0x46: {  	_ =	sfence.sel $0x180000  }
0x47: {  	s2 =	simm.s32 $0x2;
	[bflag:$0x0] =	sbarrier.arrive $0xFFFF  }
0x48: {  	s30 =	simm.s32 $0x3;
	[sflag:s2] =	ssyncpa.u1 $0x1  }
0x49: {  	s31 =	simm.s32 $0x1;
	[sflag:s30] =	ssyncpa.u1 $0x1  }
0x4a: {  	[sflag:s31] =	ssyncpa.u1 $0x1  }
0x4b: {  	p0 =	sne.s32 s0, $0x0;
	_ =	strace $0x9000004A  }
0x4c: {  	s0 =	sadd.s32 @!p0 $0x100000, s1;
	[bflag:$0x2] =	sbarrier.arrive $0xFFFF  }
0x4d: {  	[sflag:s0] =	ssyncadd.tile.s32 @!p0 $0x1;
	_ =	shalt  }
.Lfunc_end2:
_tile_overlayer_lowered:
.L_overlay_start_2:
0x4e: {  	(tag) =	ssettag $0x2  }
0x4f: {  	s0 =	rddreg [dreg:$0x0];
	s2 =	stileid.u32  }
0x50: {  	s1 =	rddreg [dreg:$0x1];
	p0 =	sne.s32 s2, $0x0  }
0x51: {  	s3 =	rddreg [dreg:$0x2];
	[bflag:$0x3] =	sbarrier.arrive $0xFFFF;
	s2 =	simm.s32 @!p0 $0x1C01  }
0x52: {  	[timem:s3], [sflag:s2] =	dma.local @!p0 [hbm:s0], s1  }
0x53: {  	s0 =	simm.s32 @!p0 $0x1  }
0x54: {  	_ =	swait.ge @!p0 [sflag:s0], s1  }
0x55: {  	s1 =	ssub.s32 @!p0 $0x0, s1;
	[sflag:s0] =	ssyncset.done @!p0 $0x0  }
0x56: {  	[sflag:s0] =	ssyncadd.s32 @!p0 s1  }
0x57: {  	[bflag:$0x3] =	sbarrier.arrive $0xFFFF  }
0x58: {  	_ =	shalt  }

// kernel: gather_offload_async_start
scs
__scs_entry_jumppad:
0x0: {  	(pc) =	sbr.rel $0x88, $3  }
0x1: {  	(tag) =	ssettag $0x0;
	lr =	simm.s32 $0x1  }
0x2: {  	[smem:$0x3F9C] =	sst lr;
	_ =	strace $0xD0000000  }
0x3: {  	_ = 	snop  }
0x4: {  	_ = 	snop  }
0x5: {  	_ = 	snop  }
0x6: {  	_ = 	snop  }
0x7: {  	_ = 	snop  }
__scs_overlays_trampoline_lowered:
0x8: {  	[smem:$0x3FAB] =	sst s0  }
0x9: {  	[smem:$0x3FAC] =	sst s1  }
0xa: {  	[smem:$0x3FAD] =	sst s2  }
0xb: {  	[smem:$0x3FAE] =	sst s3  }
0xc: {  	[smem:$0x3FAF] =	sst s4  }
0xd: {  	[smem:$0x3FB0] =	sst s5  }
0xe: {  	[smem:$0x3FB1] =	sst s6  }
0xf: {  	[smem:$0x3FB2] =	sst s7  }
0x10: {  	[smem:$0x3FB3] =	sst s8  }
0x11: {  	[smem:$0x3FB4] =	sst s9;
	s0 =	simm.s32 @!p0 $0x0  }
0x12: {  	s1 =	sld [smem:$0x3F9A];
	s0 =	simm.s32 @p0 $0x1  }
0x13: {  	[smem:$0x3FB5] =	sst s0;
	s0 =	simm.s32 @!p1 $0x0  }
0x14: {  	s2 =	sld [smem:$0x3F99];
	s0 =	simm.s32 @p1 $0x1  }
0x15: {  	[smem:$0x3FB6] =	sst s0;
	s0 =	simm.s32 @!p2 $0x0  }
0x16: {  	s3 =	sld [smem:$0x3FDB];
	s0 =	simm.s32 @p2 $0x1  }
0x17: {  	s4 =	simm.s32 $0x1BF5;
	[smem:$0x3FB8] =	sst s0  }
0x18: {  	s0 =	sld [smem:$0x3F9B];
	_ =	swait.ge [sflag:s4], $0x0  }
0x19: {  	s7 =	sld [smem:$0x3F9C]  }
0x1a: {  	s8 =	sadd.s32 $0xFFFFE003, lr  }
0x1b: {  	s9 =	sadd.s32 $0xFFFFFEF7, lr;
	s5 =	simm.s32 $0xFFFFFFFF;
	p2 =	slt.u32 s8, $0xFFFFF086  }
0x1c: {  	p1 =	slt.u32 s9, $0xF7A;
	s5 =	simm.s32 @!p2 $0x0  }
0x1d: {  	s5 =	simm.s32 @p1 $0x1;
	p0 =	seq.s32 s7, s2  }
0x1e: {  	s7 =	smul.u32 @!p0 $0xF7A, s2;
	p2 =	seq.s32 @!p0 s5, $0x0  }
0x1f: {  	s9 =	smul.u32 $0xF7A, s1;
	s8 =	simm.s32 @!p0 $0x1BF5;
	p2 =	por !p2, p0  }
0x20: {  	[sflag:s8] =	ssyncset.s32 @!p0 $0xFFFFF086;
	s6 =	sadd.s32 @!p0 s3, s7;
	s7 =	simm.s32 @!p0 $0x108  }
0x21: {  	s3 =	sadd.s32 s3, s9;
	s6 =	sadd.s32 @!p0 $0x88, s6;
	s7 =	simm.s32 @p2 $0x1082  }
0x22: {  	[simem:s7], [sflag:s8] =	dma.local @!p0 [hbm:s6], $0xF7A  }
0x23: {  	s9 =	sor.u32 $0xD0000000, s2;
	s6 =	simm.s32 $0x108;
	_ =	swait.ge @!p0 [sflag:s8], $0x0  }
0x24: {  	s3 =	sadd.s32 $0x88, s3;
	s6 =	simm.s32 @!p1 $0x1082;
	[sflag:s4] =	ssyncset.s32 $0xFFFFF086  }
0x25: {  	[simem:s6], [sflag:s4] =	dma.local [hbm:s3], $0xF7A  }
0x26: {  	[smem:$0x3F9C] =	sst s1;
	(tag) =	ssettag s2;
	_ =	strace s9  }
0x27: {  	s1 =	sld [smem:$0x3FAC]  }
0x28: {  	s2 =	sld [smem:$0x3FAD]  }
0x29: {  	s4 =	sld [smem:$0x3FAF]  }
0x2a: {  	p0 =	seq.s32 s5, $0x0;
	s5 =	sld [smem:$0x3FB0]  }
0x2b: {  	s6 =	sld [smem:$0x3FB1]  }
0x2c: {  	s7 =	sld [smem:$0x3FB2]  }
0x2d: {  	s3 =	simm.s32 $0x108;
	s8 =	sld [smem:$0x3FB3]  }
0x2e: {  	s3 =	simm.s32 @!p0 $0x1082;
	s9 =	sld [smem:$0x3FB4]  }
0x2f: {  	lr =	sadd.s32 s0, s3;
	s0 =	sld [smem:$0x3FAB]  }
0x30: {  	s3 =	sld [smem:$0x3FAE]  }
0x31: {  	[smem:$0x3FB7] =	sst s10  }
0x32: {  	s10 =	sld [smem:$0x3FB5];
	_ =	sdelay $0x3  }
0x33: {  	p0 =	seq.s32 s10, $0x1;
	s10 =	sld [smem:$0x3FB7];
	_ =	sdelay $0x3  }
0x34: {  	[smem:$0x3FB7] =	sst s10  }
0x35: {  	s10 =	sld [smem:$0x3FB6];
	_ =	sdelay $0x3  }
0x36: {  	p1 =	seq.s32 s10, $0x1;
	s10 =	sld [smem:$0x3FB7];
	_ =	sdelay $0x3  }
0x37: {  	[smem:$0x3FB7] =	sst s10  }
0x38: {  	s10 =	sld [smem:$0x3FB8]  }
0x39: {  	_ = 	snop;
	(pc) =	sbr.ind lr, $3  }
0x3a: {  	_ = 	snop  }
0x3b: {  	_ = 	snop  }
0x3c: {  	p2 =	seq.s32 s10, $0x1;
	s10 =	sld [smem:$0x3FB7]  }
0x3d: {  	_ =	shalt  }
0x3e: {  	_ =	shalt  }
0x3f: {  	_ =	shalt  }
0x40: {  	_ =	shalt  }
0x41: {  	_ =	shalt  }
0x42: {  	_ =	shalt  }
0x43: {  	_ =	shalt  }
0x44: {  	_ =	shalt  }
0x45: {  	_ =	shalt  }
0x46: {  	_ =	shalt  }
0x47: {  	_ =	shalt  }
0x48: {  	_ =	shalt  }
0x49: {  	_ =	shalt  }
0x4a: {  	_ =	shalt  }
0x4b: {  	_ =	shalt  }
0x4c: {  	_ =	shalt  }
0x4d: {  	_ =	shalt  }
0x4e: {  	_ =	shalt  }
0x4f: {  	_ =	shalt  }
0x50: {  	_ =	shalt  }
0x51: {  	_ =	shalt  }
0x52: {  	_ =	shalt  }
0x53: {  	_ =	shalt  }
0x54: {  	_ =	shalt  }
0x55: {  	_ =	shalt  }
0x56: {  	_ =	shalt  }
0x57: {  	_ =	shalt  }
0x58: {  	_ =	shalt  }
0x59: {  	_ =	shalt  }
0x5a: {  	_ =	shalt  }
0x5b: {  	_ =	shalt  }
0x5c: {  	_ =	shalt  }
0x5d: {  	_ =	shalt  }
0x5e: {  	_ =	shalt  }
0x5f: {  	_ =	shalt  }
0x60: {  	_ =	shalt  }
0x61: {  	_ =	shalt  }
0x62: {  	_ =	shalt  }
0x63: {  	_ =	shalt  }
0x64: {  	_ =	shalt  }
0x65: {  	_ =	shalt  }
0x66: {  	_ =	shalt  }
0x67: {  	_ =	shalt  }
0x68: {  	_ =	shalt  }
0x69: {  	_ =	shalt  }
0x6a: {  	_ =	shalt  }
0x6b: {  	_ =	shalt  }
0x6c: {  	_ =	shalt  }
0x6d: {  	_ =	shalt  }
0x6e: {  	_ =	shalt  }
0x6f: {  	_ =	shalt  }
0x70: {  	_ =	shalt  }
0x71: {  	_ =	shalt  }
0x72: {  	_ =	shalt  }
0x73: {  	_ =	shalt  }
0x74: {  	_ =	shalt  }
0x75: {  	_ =	shalt  }
0x76: {  	_ =	shalt  }
0x77: {  	_ =	shalt  }
0x78: {  	_ =	shalt  }
0x79: {  	_ =	shalt  }
0x7a: {  	_ =	shalt  }
0x7b: {  	_ =	shalt  }
0x7c: {  	_ =	shalt  }
0x7d: {  	_ =	shalt  }
0x7e: {  	_ =	shalt  }
0x7f: {  	_ =	shalt  }
0x80: {  	_ =	shalt  }
0x81: {  	_ =	shalt  }
0x82: {  	_ =	shalt  }
0x83: {  	_ =	shalt  }
0x84: {  	_ =	shalt  }
0x85: {  	_ =	shalt  }
0x86: {  	_ =	shalt  }
0x87: {  	_ =	shalt  }
.Lfunc_end0:
.L_simem_size_0:
called_computation_lowered:
.L_overlay_start_0:
0x88: {  	s2 =	sld [smem:$0x3FD9]  }
0x89: {  	s3 =	sld [smem:$0x3FFE];
	_ =	sdelay $0x1  }
0x8a: {  	s1 =	srdreg.scid  }
0x8b: {  	s0 =	sand.u32 $0x1, s1  }
0x8c: {  	s14 =	sshll.u32 s0, $0xA;
	s2 =	sadd.s32 s3, s2  }
0x8d: {  	s2 =	sadd.s32 s2, s14  }
0x8e: {  	[smem:$0x3FC3] =	sst s2  }
0x8f: {  	_ = 	snop  }
0x90: {  	s2 =	sld [smem:$0x3FD0];
	_ =	sdelay $0x2  }
0x91: {  	s15 =	simm.s32 $0xA;
	s4 =	simm.s32 $0x10  }
0x92: {  	[smem:s4], [sflag:s15] =	dma.local [hbm:s2], $0x1  }
0x93: {  	_ =	swait.eq [sflag:s15], $0x1  }
0x94: {  	[sflag:s15] =	ssyncset.done $0x0  }
0x95: {  	[sflag:s15] =	ssyncadd.s32 $0xFFFFFFFF  }
0x96: {  	s16 =	sld [smem:$0x10];
	(tm) =	ssettm $0x1  }
0x97: {  	s17 =	sld [smem:$0x3FFB];
	_ =	sdelay $0x3  }
0x98: {  	_ =	strace s17  }
0x99: {  	s3 =	sld [smem:$0x3FFC];
	_ =	sdelay $0x3  }
0x9a: {  	_ =	strace s3  }
0x9b: {  	s3 =	sld [smem:$0x3FFD];
	_ =	sdelay $0x3  }
0x9c: {  	_ =	strace s3  }
0x9d: {  	_ =	strace $0x8FFFFFFF  }
0x9e: {  	s18 =	sld [smem:$0x3FDB];
	_ =	sdelay $0x1  }
0x9f: {  	s19 =	simm.s32 $_scs_section_size  }
0xa0: {  	s5 =	simm.s32 $_size__tile_overlayer_lowered;
	s6 =	simm.s32 $_tile_overlayer_lowered  }
0xa1: {  	s22 =	simm.s32 $0x1BFF;
	s21 =	sshll.u32 s6, $0x1;
	s3 =	sadd.s32 s19, s18  }
0xa2: {  	s7 =	simm.s32 $0x0;
	s20 =	sshll.u32 s5, $0x1;
	s5 =	sadd.s32 s21, s3  }
0xa3: {  	[timem:s7], [sflag:s22] =	dma.local [hbm:s5], s20  }
0xa4: {  	_ =	swait.ge [sflag:s22], s20  }
0xa5: {  	s4 =	ssub.s32 $0x0, s20;
	[sflag:s22] =	ssyncset.done $0x0  }
0xa6: {  	[sflag:s22] =	ssyncadd.s32 s4;
	_ =	sdelay $0x1  }
0xa7: {  	s23 =	simm.s32 $0x1B8B  }
0xa8: {  	_ =	swait.ge [sflag:s23], $0x1  }
0xa9: {  	[sflag:s23] =	ssyncset.done $0x0  }
0xaa: {  	s25 =	simm.s32 $0x1B8E;
	s24 =	sld [smem:$0x3FFE];
	[sflag:s23] =	ssyncadd.s32 $0xFFFFFFFF  }
0xab: {  	s26 =	simm.s32 $execute0_lowered;
	[smem:$0x3FD2] =	sst s25  }
0xac: {  	s5 =	sshll.u32 s26, $0x1;
	_ =	strace $0x80000046;
	[dreg:$0x1] =	wrdreg $0xFFFFFFFF  }
0xad: {  	s28 =	simm.s32 $_size_execute0_lowered;
	s3 =	sadd.s32 s3, s5;
	[dreg:$0x0] =	wrdreg $0x0  }
0xae: {  	s5 =	sshll.u32 s28, $0x1;
	[dreg:$0x2] =	wrdreg s3  }
0xaf: {  	[dreg:$0x3] =	wrdreg s5  }
0xb0: {  	[dreg:$0x4] =	wrdreg $0xC0  }
0xb1: {  	_ =	task [dreg:s7], $0x5FFFF  }
0xb2: {  	[dreg:$0x1] =	wrdreg $0xFFFFFFFF  }
0xb3: {  	[dreg:$0x0] =	wrdreg $0x60  }
0xb4: {  	[dreg:$0x2] =	wrdreg s16  }
0xb5: {  	[dreg:$0x3] =	wrdreg s24  }
0xb6: {  	[dreg:$0x4] =	wrdreg $0x9  }
0xb7: {  	_ =	task.clear_ibuf [dreg:s7], $0x5FFFF;
	_ =	strace $0x90000046  }
0xb8: {  	s29 =	simm.s32 $0x9;
	_ =	strace $0x80000048  }
0xb9: {  	_ =	swait.ge [sflag:s29], $0x1  }
0xba: {  	[sflag:s29] =	ssyncadd.s32 $0xFFFFFFFF  }
0xbb: {  	_ =	strace $0x90000048  }
0xbc: {  	_ =	sfence  }
0xbd: {  	s30 =	sld [smem:$0x0];
	_ =	sdelay $0x2  }
0xbe: {  	s31 =	sshll.u32 s1, $0xD;
	s1 =	sshrl.u32 s1, $0x2  }
0xbf: {  	s3 =	sand.u32 $0x4000, s31;
	s1 =	sadd.s32 s1, s30  }
0xc0: {  	s0 =	sor.u32 s3, s0;
	s1 =	sshll.u32 s1, $0x11  }
0xc1: {  	s0 =	sor.u32 s1, s0  }
0xc2: {  	s0 =	sadd.s32 $0x8F2B, s0  }
0xc3: {  	[sflag:s0] =	ssyncadd.remote.s32 $0x1  }
0xc4: {  	_ =	sfence.sel $0xFFFF  }
0xc5: {  	[dreg:$0x0] =	wrdreg $0xFFFFFFFF;
	(pc) =	sbr.abs _section_cstart, $3  }
0xc6: {  	[dreg:$0x1] =	wrdreg $0xFFFFFFFF  }
0xc7: {  	_ =	task.clear_ibuf [dreg:s7], $0x2FFFF;
	_ =	strace $0x9FFFFFFF  }
0xc8: {  	(tm) =	ssettm $0x7FFFFFFF  }
0xc9: {  	_ =	shalt  }
tec
execute0_lowered:
.L_overlay_start_1:
0x0: {  	(tag) =	ssettag $0x1  }
0x1: {  	s1 =	srdreg.scid;
	s2 =	rddreg [dreg:$0x0]  }
0x2: {  	s0 =	stileid.u32;
	s3 =	rddreg [dreg:$0x1]  }
0x3: {  	s6 =	simm.s32 $0x1;
	s9 =	simm.s32 $0x1;
	s1 =	sshll.u32 s1, $0x6  }
0x4: {  	s10 =	simm.s32 $0x3;
	s4 =	sshll.u32 s0, $0x7;
	s5 =	sand.u32 $0x40, s1  }
0x5: {  	s13 =	simm.s32 $0x0;
	s12 =	simm.s32 $0x0;
	s4 =	sor.u32 s4, s5  }
0x6: {  	s1 =	rddreg [dreg:$0x2];
	_ =	strace $0x80000047;
	s8 =	ssub.s32 $0x1000, s4  }
.Ltmp0:
0x7: {  	s5 =	sadd.s32 $0x200, s3;
	s7 =	sand.u32 $0x7C0, s8;
	(pc) =	sbr.rel .LBB2_1-.Ltmp0, $4  }
0x8: {  	[sflag:s6] =	ssyncpa.u1 $0x0;
	s11 =	smov.u32 s4;
	p0 =	sne.s32 s7, $0x0  }
0x9: {  	s8 =	sshrl.u32 s8, $0xB;
	s7 =	simm.s32 $0x2;
	s9 =	simm.s32 @!p0 $0x0  }
0xa: {  	[sflag:s7] =	ssyncpa.u1 $0x0;
	p0 =	por $0x0, $0x0;
	s8 =	sadd.s32 s9, s8  }
0xb: {  	vm0 =	vmmov $0xffff;
	[sflag:s10] =	ssyncpa.u1 $0x0;
	s10 =	simm.s32 $0x0;
	s9 =	sadd.s32 $0x1, s8  }
.LBB2_4:
0xc: {  	v1 =	vsel vm1, $0xFFFFFFFF, v1;
	v2 =	vand.u32 $0x7, v2  }
0xd: {  	v2 =	vsel vm1, $0xFFFFFFFF, v2;
	v3 =	vshll.u32 v1, $0x3  }
0xe: {  	v4 =	vand.u32 $0xFFFF8000, v2;
	v3 =	vand.u32 $0xFFFFFC00, v3;
	v2 =	vshll.u32 v2, $0x7  }
0xf: {  	v3 =	vadd.s32 v3, v4;
	v2 =	vand.u32 $0x380, v2  }
0x10: {  	v1 =	vand.u32 $0x7F, v1;
	v2 =	vor.u32 v2, v3  }
0x11: {  	v1 =	vor.u32 v1, v2;
	_ =	sdelay $0x1  }
0x12: {  	(ifvalue) =	ssetifvalue $0x7FFFFFFF;
	s15 =	sadd.s32 $0x10, s15  }
0x13: {  	[tilespmem:s15], [sflag:$0x1] =	stream.indirect_vreg.gather [hbm4b:s2+s10], $0x1, v0, vm0, $0x4038;
	[tilespmem:$0x100] =	vst v63  }
0x14: {  	(ifvalue) =	ssetifvalue $0x7FFFFFFF;
	s15 =	sadd.s32 $0x10, s15  }
0x15: {  	[tilespmem:s15], [sflag:$0x1] =	stream.indirect_vreg.gather [hbm4b:s2+s10], $0x1, v1, vm0, $0x4038;
	[tilespmem:$0x100] =	vst v63  }
0x16: {  	_ =	swait.ge [sflag:s6], $0x40  }
0x17: {  	s30 =	sshrl.u32 s13, $0x3;
	[sflag:s6] =	ssyncset.done $0x0  }
0x18: {  	s31 =	sand.u32 $0x7, s13;
	s15 =	sadd.s32 s5, s30;
	[sflag:s6] =	ssyncadd.s32 $0xFFFFFFC0  }
0x19: {  	[hbm4b:s15+s31] =	stream.linear.scatter [tilespmem:s14], [sflag:$0x3], $0x40, $0x38;
	[tilespmem:$0x100] =	vst v63  }
.LBB2_5:
0x1a: {  	s15 =	sadd.s32 $0x800, s11  }
0x1b: {  	p2 =	sgt.s32 s15, $0xFFF  }
0x1c: {  	s15 =	smov.u32 @p2 s4;
	p2 =	sne.s32 s12, s9  }
.Ltmp1:
0x1d: {  	p1 =	slt.u32 s12, $0x2;
	(pc) =	sbr.rel @!p2 .LBB2_6-.Ltmp1, $4  }
0x1e: {  	s14 =	simm.s32 @!p1 $0x3  }
0x1f: {  	s16 =	sadd.s32 $0x1, s12;
	_ =	swait.ge @!p1 [sflag:s14], $0x40  }
0x20: {  	s13 =	smov.u32 s11;
	p0 =	por !p0, !p0;
	[sflag:s14] =	ssyncset.done @!p1 $0x0  }
0x21: {  	s12 =	smov.u32 s16;
	s11 =	smov.u32 s15;
	[sflag:s14] =	ssyncadd.s32 @!p1 $0xFFFFFFC0  }
.LBB2_1:
0x22: {  	p1 =	sge.u32 s12, s8  }
0x23: {  	s14 =	sxor.u32 @!p1 $0xFFFFFFFF, s12  }
0x24: {  	s31 =	sadd.s32 $0xFFFFFFFF, s12;
	s15 =	sshrl.u32 @!p1 s11, $0x3;
	s14 =	sshll.u32 @!p1 s14, $0x6  }
0x25: {  	s16 =	sand.u32 @!p1 $0x7, s11;
	s15 =	sadd.s32 @!p1 s3, s15;
	s14 =	sand.u32 @!p1 $0x40, s14  }
0x26: {  	[tilespmem:s14], [sflag:$0x2] =	stream.linear.gather @!p1 [hbm4b:s15+s16], $0x40, $0x38;
	[tilespmem:$0x100] =	vst v63  }
0x27: {  	p1 =	sge.u32 s31, s8  }
.Ltmp2:
0x28: {  	_ = 	snop;
	(pc) =	sbr.rel @p1 .LBB2_5-.Ltmp2, $1  }
0x29: {  	_ =	sdelay $0x3  }
0x2a: {  	s14 =	simm.s32 $0x1  }
0x2b: {  	_ =	swait.ge [sflag:s7], $0x40;
	s14 =	simm.s32 @!p0 $0x0  }
0x2c: {  	[sflag:s7] =	ssyncset.done $0x0;
	s14 =	sshll.u32 s14, $0x6  }
0x2d: {  	[sflag:s7] =	ssyncadd.s32 $0xFFFFFFC0;
	(ifvalue) =	ssetifvalue $0x7FFFFFFF;
	v0 =	vld.msk [tilespmem:s14+$0x0 ss:$0x1], $0xffff;
	_ =	sdelay $0x3  }
0x2e: {  	s15 =	sadd.s32 $0x10, s14  }
0x2f: {  	v2 =	vld.msk [tilespmem:s15+$0x0 ss:$0x1], $0xffff;
	vm1 =	veq.s32 v0, $0x80000000;
	v1 =	vand.u32 $0xFFF, v0;
	v0 =	vshrl.u32 v0, $0xC  }
0x30: {  	v1 =	vsel vm1, $0xFFFFFFFF, v1;
	v0 =	vand.u32 $0x7, v0  }
0x31: {  	v0 =	vsel vm1, $0xFFFFFFFF, v0;
	v3 =	vshll.u32 v1, $0x3  }
0x32: {  	v4 =	vand.u32 $0xFFFF8000, v0;
	v3 =	vand.u32 $0xFFFFFC00, v3;
	v0 =	vshll.u32 v0, $0x7  }
0x33: {  	v3 =	vadd.s32 v3, v4;
	v0 =	vand.u32 $0x380, v0  }
0x34: {  	v1 =	vand.u32 $0x7F, v1;
	vm1 =	veq.s32 v2, $0x80000000;
	v0 =	vor.u32 v0, v3  }
0x35: {  	v0 =	vor.u32 v1, v0;
	v1 =	vand.u32 $0xFFF, v2;
	v2 =	vshrl.u32 v2, $0xC  }
0x36: {  	s17 =	sadd.s32 $0x10, s15;
	v1 =	vsel vm1, $0xFFFFFFFF, v1;
	v2 =	vand.u32 $0x7, v2  }
0x37: {  	v3 =	vld.msk [tilespmem:s17+$0x0 ss:$0x1], $0xffff;
	v2 =	vsel vm1, $0xFFFFFFFF, v2;
	v63 =	vshll.u32 v1, $0x3  }
0x38: {  	v5 =	vand.u32 $0xFFFF8000, v2;
	v4 =	vand.u32 $0xFFFFFC00, v63;
	v2 =	vshll.u32 v2, $0x7  }
0x39: {  	s31 =	sshll.u32 s12, $0x6;
	s15 =	sor.u32 $0x80, s14;
	(ifvalue) =	ssetifvalue $0x7FFFFFFF;
	v4 =	vadd.s32 v4, v5;
	v2 =	vand.u32 $0x380, v2  }
0x3a: {  	[tilespmem:s15], [sflag:$0x1] =	stream.indirect_vreg.gather [hbm4b:s2+s10], $0x1, v0, vm0, $0x4038;
	v0 =	vand.u32 $0x7F, v1;
	v1 =	vor.u32 v2, v4;
	[tilespmem:$0x100] =	vst v63  }
0x3b: {  	s14 =	sand.u32 $0x40, s31;
	v0 =	vor.u32 v0, v1  }
0x3c: {  	s16 =	simm.s32 $0x20;
	s14 =	sor.u32 $0x80, s14;
	s17 =	sadd.s32 $0x10, s17;
	vm1 =	veq.s32 v3, $0x80000000;
	v2 =	vshrl.u32 v3, $0xC;
	v1 =	vand.u32 $0xFFF, v3  }
.LBB2_3:
0x3d: {  	v3 =	vld.msk [tilespmem:s17+$0x0 ss:$0x1], $0xffff;
	s16 =	sadd.s32 $0x10, s16;
	v1 =	vsel vm1, $0xFFFFFFFF, v1;
	v2 =	vand.u32 $0x7, v2  }
0x3e: {  	p1 =	slt.u32 s16, $0x30;
	v2 =	vsel vm1, $0xFFFFFFFF, v2;
	v4 =	vshll.u32 v1, $0x3  }
.Ltmp3:
0x3f: {  	s15 =	sadd.s32 $0x10, s15;
	v5 =	vand.u32 $0xFFFF8000, v2;
	v4 =	vand.u32 $0xFFFFFC00, v4;
	v2 =	vshll.u32 v2, $0x7;
	(ifvalue) =	ssetifvalue $0x7FFFFFFF;
	(pc) =	sbr.rel @p1 .LBB2_3-.Ltmp3, $4  }
0x40: {  	v4 =	vadd.s32 v4, v5;
	v2 =	vand.u32 $0x380, v2;
	[tilespmem:s15], [sflag:$0x1] =	stream.indirect_vreg.gather [hbm4b:s2+s10], $0x1, v0, vm0, $0x4038;
	[tilespmem:$0x100] =	vst v63  }
0x41: {  	v0 =	vand.u32 $0x7F, v1;
	v1 =	vor.u32 v2, v4  }
0x42: {  	v0 =	vor.u32 v0, v1  }
0x43: {  	s17 =	sadd.s32 $0x10, s17;
	vm1 =	veq.s32 v3, $0x80000000;
	v1 =	vand.u32 $0xFFF, v3;
	v2 =	vshrl.u32 v3, $0xC  }
.Ltmp4:
0x44: {  	_ = 	snop;
	(pc) =	sbr.rel .LBB2_4-.Ltmp4, $1  }
0x45: {  	_ =	sdelay $0x3  }
.LBB2_6:
0x46: {  	_ =	sfence.sel $0x180000  }
0x47: {  	s2 =	simm.s32 $0x2;
	[bflag:$0x0] =	sbarrier.arrive $0xFFFF  }
0x48: {  	s30 =	simm.s32 $0x3;
	[sflag:s2] =	ssyncpa.u1 $0x1  }
0x49: {  	s31 =	simm.s32 $0x1;
	[sflag:s30] =	ssyncpa.u1 $0x1  }
0x4a: {  	[sflag:s31] =	ssyncpa.u1 $0x1  }
0x4b: {  	p0 =	sne.s32 s0, $0x0;
	_ =	strace $0x90000047  }
0x4c: {  	s0 =	sadd.s32 @!p0 $0x100000, s1;
	[bflag:$0x2] =	sbarrier.arrive $0xFFFF  }
0x4d: {  	[sflag:s0] =	ssyncadd.tile.s32 @!p0 $0x1;
	_ =	shalt  }
.Lfunc_end2:
_tile_overlayer_lowered:
.L_overlay_start_2:
0x4e: {  	(tag) =	ssettag $0x2  }
0x4f: {  	s0 =	rddreg [dreg:$0x0];
	s2 =	stileid.u32  }
0x50: {  	s1 =	rddreg [dreg:$0x1];
	p0 =	sne.s32 s2, $0x0  }
0x51: {  	s3 =	rddreg [dreg:$0x2];
	[bflag:$0x3] =	sbarrier.arrive $0xFFFF;
	s2 =	simm.s32 @!p0 $0x1C01  }
0x52: {  	[timem:s3], [sflag:s2] =	dma.local @!p0 [hbm:s0], s1  }
0x53: {  	s0 =	simm.s32 @!p0 $0x1  }
0x54: {  	_ =	swait.ge @!p0 [sflag:s0], s1  }
0x55: {  	s1 =	ssub.s32 @!p0 $0x0, s1;
	[sflag:s0] =	ssyncset.done @!p0 $0x0  }
0x56: {  	[sflag:s0] =	ssyncadd.s32 @!p0 s1  }
0x57: {  	[bflag:$0x3] =	sbarrier.arrive $0xFFFF  }
0x58: {  	_ =	shalt  }

</sc_bundles>
